<compile_context>
chip_gen: v7x
topology: tpu7x:2x2x1
jax: 0.10.2.dev20260603
libtpu: 0.0.44.dev20260713+nightly
codegen_flags: <defaults>
</compile_context>

<pallas_src>
import jax
import jax.numpy as jnp
from jax.experimental import pallas as pl
from jax.experimental.pallas import tpu as pltpu


def _global_mlp_body(g_ref, wg1_ref, wg2_ref, wlin_ref, blin_ref, out_ref):
    g = g_ref[...]
    a = jnp.dot(g, wg1_ref[...], preferred_element_type=jnp.float32)
    m = jnp.mean(a, axis=0, keepdims=True)
    v = jnp.mean((a - m) * (a - m), axis=0, keepdims=True)
    a = jnp.maximum((a - m) / jnp.sqrt(v + 1e-5), 0.0)
    b = jnp.dot(a, wg2_ref[...], preferred_element_type=jnp.float32)
    m2 = jnp.mean(b, axis=0, keepdims=True)
    v2 = jnp.mean((b - m2) * (b - m2), axis=0, keepdims=True)
    b = jnp.maximum((b - m2) / jnp.sqrt(v2 + 1e-5), 0.0)
    out_ref[...] = jnp.dot(b, wlin_ref[...], preferred_element_type=jnp.float32) + blin_ref[...]


def _global_mlp(g, Wg1, Wg2, Wlin, blin):
    Wlin_p = jnp.zeros((256, 128), jnp.float32).at[:, :9].set(Wlin)
    blin_p = jnp.zeros((1, 128), jnp.float32).at[0, :9].set(blin)
    out = pl.pallas_call(
        _global_mlp_body,
        out_shape=jax.ShapeDtypeStruct((32, 128), jnp.float32),
    )(g, Wg1, Wg2, Wlin_p, blin_p)
    return out[:, :9]


def kernel(x, W1, W2, Wl, Wg1, Wg2, Wlin, blin):
    k = 20
    xt = jnp.transpose(x, (0, 2, 1))
    sq = jnp.sum(x * x, axis=1)
    inner = jnp.einsum('bcn,bcm->bnm', x, x)
    pdist = sq[:, :, None] - 2.0 * inner + sq[:, None, :]
    _, knn_ind = jax.lax.top_k(-pdist, k)
    neighbor = jax.vmap(lambda kt, idx: kt[idx])(xt, knn_ind)
    central = jnp.broadcast_to(xt[:, :, None, :], neighbor.shape)
    edge = jnp.concatenate([central, neighbor - central], axis=-1)

    def _bn(t, axes):
        m = jnp.mean(t, axis=axes, keepdims=True)
        v = jnp.var(t, axis=axes, keepdims=True)
        return (t - m) / jnp.sqrt(v + 1e-5)

    h = jax.nn.relu(_bn(edge @ W1, (0, 1, 2)))
    h = jax.nn.relu(_bn(h @ W2, (0, 1, 2)))
    h = jnp.max(h, axis=2)
    h = jax.nn.relu(_bn(h @ Wl, (0, 1)))
    g = jnp.max(h, axis=1)
    out = _global_mlp(g, Wg1, Wg2, Wlin, blin)
    out = out.reshape(-1, 3, 3) + jnp.eye(3, dtype=out.dtype)
    return out

# --- scband reference (transcript-rebuilt; emitter-appended) ---
"""Pipeline reference for scband-tnet-52802327937625 (READ-ONLY COPY).

The authoritative reference and input builder live on the scoring server;
editing this copy changes nothing except your own understanding.
"""

import jax, jax.numpy as jnp
import numpy as np


def _bn(x, axes):
    m = jnp.mean(x, axis=axes, keepdims=True)
    v = jnp.var(x, axis=axes, keepdims=True)
    return (x - m) / jnp.sqrt(v + 1e-5)


def setup_inputs(seed: int = 0):
    key = jax.random.key(seed)
    ks = jax.random.split(key, 8)
    x = jax.random.normal(ks[0], (32, 3, 1024), dtype=jnp.float32)
    W1 = jax.random.normal(ks[1], (6, 64), dtype=jnp.float32) * 0.1
    W2 = jax.random.normal(ks[2], (64, 128), dtype=jnp.float32) * 0.05
    Wl = jax.random.normal(ks[3], (128, 1024), dtype=jnp.float32) * 0.03
    Wg1 = jax.random.normal(ks[4], (1024, 512), dtype=jnp.float32) * 0.03
    Wg2 = jax.random.normal(ks[5], (512, 256), dtype=jnp.float32) * 0.05
    Wlin = jax.random.normal(ks[6], (256, 9), dtype=jnp.float32) * 0.02
    blin = jnp.zeros((9,), dtype=jnp.float32)
    return {"x": x, "W1": W1, "W2": W2, "Wl": Wl, "Wg1": Wg1, "Wg2": Wg2, "Wlin": Wlin, "blin": blin}


def reference(x, W1, W2, Wl, Wg1, Wg2, Wlin, blin):
    k = 20
    # compute_knn_builtin(x, x, k): pairwise sq distances on [B, C, N]
    xt = jnp.transpose(x, (0, 2, 1))  # [B, N, C]
    sq = jnp.sum(x * x, axis=1)  # [B, N]
    inner = jnp.einsum('bcn,bcm->bnm', x, x)  # [B, N, N]
    pdist = sq[:, :, None] - 2.0 * inner + sq[:, None, :]
    _, knn_ind = jax.lax.top_k(-pdist, k)  # [B, N, k] nearest neighbours
    # EdgeConvBlock: gather neighbours, edge feat = concat(central, neighbor-central)
    neighbor = jax.vmap(lambda kt, idx: kt[idx])(xt, knn_ind)  # [B, N, k, C]
    central = jnp.broadcast_to(xt[:, :, None, :], neighbor.shape)
    edge = jnp.concatenate([central, neighbor - central], axis=-1)  # [B, N, k, 2C]
    h = jax.nn.relu(_bn(edge @ W1, (0, 1, 2)))  # conv2d 1x1 6->64 + BN + ReLU
    h = jax.nn.relu(_bn(h @ W2, (0, 1, 2)))  # 64->128
    h = jnp.max(h, axis=2)  # max over k neighbours -> [B, N, 128]
    # mlp_local (conv1d 128->1024 + BN + ReLU)
    h = jax.nn.relu(_bn(h @ Wl, (0, 1)))  # [B, N, 1024]
    # global max pool over points (torch.max(x, 2))
    g = jnp.max(h, axis=1)  # [B, 1024]
    # mlp_global (1024->512->256, BN + ReLU)
    g = jax.nn.relu(_bn(g @ Wg1, (0,)))
    g = jax.nn.relu(_bn(g @ Wg2, (0,)))
    out = g @ Wlin + blin  # [B, 9]
    out = out.reshape(-1, 3, 3) + jnp.eye(3, dtype=out.dtype)
    return out

if __name__ == "__main__":
    import jax
    _d = setup_inputs()
    print(jax.jit(kernel)(*tuple(_d.values())))

</pallas_src>

<mosaic_0001>
module attributes {stable_mosaic.version = 14 : i64} {
  func.func @_global_mlp_body(%arg0: memref<32x1024xf32, #tpu.memory_space<vmem>>, %arg1: memref<1024x512xf32, #tpu.memory_space<vmem>>, %arg2: memref<512x256xf32, #tpu.memory_space<vmem>>, %arg3: memref<256x128xf32, #tpu.memory_space<vmem>>, %arg4: memref<1x128xf32, #tpu.memory_space<vmem>>, %arg5: memref<32x128xf32, #tpu.memory_space<vmem>>) attributes {dimension_semantics = [], scalar_prefetch = 0 : i64, scratch_operands = 0 : i64, tpu.core_type = #tpu.core_type<tc>} {
    %get3A = arith.constant 0 : index
    %get3A_0 = arith.constant 0 : index
    %get3A_1 = vector.load %arg0[%get3A, %get3A_0] : memref<32x1024xf32, #tpu.memory_space<vmem>>, vector<32x1024xf32>
    %get3A_2 = arith.constant 0 : index
    %get3A_3 = arith.constant 0 : index
    %get3A_4 = vector.load %arg1[%get3A_2, %get3A_3] : memref<1024x512xf32, #tpu.memory_space<vmem>>, vector<1024x512xf32>
    %dot_general3A = arith.constant dense<0.000000e+00> : vector<32x512xf32>
    %dot_general3A_5 = tpu.matmul %get3A_1, %get3A_4, %dot_general3A {dimension_numbers = #tpu.dot_dimension_numbers<[1], [0], [0], [1], [0, 0, 1, 1], [], []>, transpose_lhs_hint = false} : vector<32x1024xf32>, vector<1024x512xf32>, vector<32x512xf32> -> vector<32x512xf32>
    %reduce_sum3A = arith.constant dense<0.000000e+00> : vector<512xf32>
    %reduce_sum3A_6 = vector.multi_reduction <add>, %dot_general3A_5, %reduce_sum3A [0] : vector<32x512xf32> to vector<512xf32>
    %broadcast_in_dim3A = vector.shape_cast %reduce_sum3A_6 : vector<512xf32> to vector<1x512xf32>
    %div3A = arith.constant 3.200000e+01 : f32
    %div3A_7 = vector.broadcast %div3A : f32 to vector<1x512xf32>
    %div3A_8 = arith.divf %broadcast_in_dim3A, %div3A_7 : vector<1x512xf32>
    %sub3A = vector.broadcast %div3A_8 : vector<1x512xf32> to vector<32x512xf32>
    %sub3A_9 = arith.subf %dot_general3A_5, %sub3A : vector<32x512xf32>
    %sub3A_10 = vector.broadcast %div3A_8 : vector<1x512xf32> to vector<32x512xf32>
    %sub3A_11 = arith.subf %dot_general3A_5, %sub3A_10 : vector<32x512xf32>
    %mul3A = arith.mulf %sub3A_9, %sub3A_11 : vector<32x512xf32>
    %reduce_sum3A_12 = arith.constant dense<0.000000e+00> : vector<512xf32>
    %reduce_sum3A_13 = vector.multi_reduction <add>, %mul3A, %reduce_sum3A_12 [0] : vector<32x512xf32> to vector<512xf32>
    %broadcast_in_dim3A_14 = vector.shape_cast %reduce_sum3A_13 : vector<512xf32> to vector<1x512xf32>
    %div3A_15 = arith.constant 3.200000e+01 : f32
    %div3A_16 = vector.broadcast %div3A_15 : f32 to vector<1x512xf32>
    %div3A_17 = arith.divf %broadcast_in_dim3A_14, %div3A_16 : vector<1x512xf32>
    %sub3A_18 = vector.broadcast %div3A_8 : vector<1x512xf32> to vector<32x512xf32>
    %sub3A_19 = arith.subf %dot_general3A_5, %sub3A_18 : vector<32x512xf32>
    %add3A = arith.constant 9.99999974E-6 : f32
    %add3A_20 = vector.broadcast %add3A : f32 to vector<1x512xf32>
    %add3A_21 = arith.addf %div3A_17, %add3A_20 : vector<1x512xf32>
    %sqrt3A = math.sqrt %add3A_21 : vector<1x512xf32>
    %div3A_22 = vector.broadcast %sqrt3A : vector<1x512xf32> to vector<32x512xf32>
    %div3A_23 = arith.divf %sub3A_19, %div3A_22 : vector<32x512xf32>
    %max3A = arith.constant 0.000000e+00 : f32
    %max3A_24 = vector.broadcast %max3A : f32 to vector<32x512xf32>
    %max3A_25 = arith.maximumf %div3A_23, %max3A_24 : vector<32x512xf32>
    %get3A_26 = arith.constant 0 : index
    %get3A_27 = arith.constant 0 : index
    %get3A_28 = vector.load %arg2[%get3A_26, %get3A_27] : memref<512x256xf32, #tpu.memory_space<vmem>>, vector<512x256xf32>
    %dot_general3A_29 = arith.constant dense<0.000000e+00> : vector<32x256xf32>
    %dot_general3A_30 = tpu.matmul %max3A_25, %get3A_28, %dot_general3A_29 {dimension_numbers = #tpu.dot_dimension_numbers<[1], [0], [0], [1], [0, 0, 1, 1], [], []>, transpose_lhs_hint = false} : vector<32x512xf32>, vector<512x256xf32>, vector<32x256xf32> -> vector<32x256xf32>
    %reduce_sum3A_31 = arith.constant dense<0.000000e+00> : vector<256xf32>
    %reduce_sum3A_32 = vector.multi_reduction <add>, %dot_general3A_30, %reduce_sum3A_31 [0] : vector<32x256xf32> to vector<256xf32>
    %broadcast_in_dim3A_33 = vector.shape_cast %reduce_sum3A_32 : vector<256xf32> to vector<1x256xf32>
    %div3A_34 = arith.constant 3.200000e+01 : f32
    %div3A_35 = vector.broadcast %div3A_34 : f32 to vector<1x256xf32>
    %div3A_36 = arith.divf %broadcast_in_dim3A_33, %div3A_35 : vector<1x256xf32>
    %sub3A_37 = vector.broadcast %div3A_36 : vector<1x256xf32> to vector<32x256xf32>
    %sub3A_38 = arith.subf %dot_general3A_30, %sub3A_37 : vector<32x256xf32>
    %sub3A_39 = vector.broadcast %div3A_36 : vector<1x256xf32> to vector<32x256xf32>
    %sub3A_40 = arith.subf %dot_general3A_30, %sub3A_39 : vector<32x256xf32>
    %mul3A_41 = arith.mulf %sub3A_38, %sub3A_40 : vector<32x256xf32>
    %reduce_sum3A_42 = arith.constant dense<0.000000e+00> : vector<256xf32>
    %reduce_sum3A_43 = vector.multi_reduction <add>, %mul3A_41, %reduce_sum3A_42 [0] : vector<32x256xf32> to vector<256xf32>
    %broadcast_in_dim3A_44 = vector.shape_cast %reduce_sum3A_43 : vector<256xf32> to vector<1x256xf32>
    %div3A_45 = arith.constant 3.200000e+01 : f32
    %div3A_46 = vector.broadcast %div3A_45 : f32 to vector<1x256xf32>
    %div3A_47 = arith.divf %broadcast_in_dim3A_44, %div3A_46 : vector<1x256xf32>
    %sub3A_48 = vector.broadcast %div3A_36 : vector<1x256xf32> to vector<32x256xf32>
    %sub3A_49 = arith.subf %dot_general3A_30, %sub3A_48 : vector<32x256xf32>
    %add3A_50 = arith.constant 9.99999974E-6 : f32
    %add3A_51 = vector.broadcast %add3A_50 : f32 to vector<1x256xf32>
    %add3A_52 = arith.addf %div3A_47, %add3A_51 : vector<1x256xf32>
    %sqrt3A_53 = math.sqrt %add3A_52 : vector<1x256xf32>
    %div3A_54 = vector.broadcast %sqrt3A_53 : vector<1x256xf32> to vector<32x256xf32>
    %div3A_55 = arith.divf %sub3A_49, %div3A_54 : vector<32x256xf32>
    %max3A_56 = arith.constant 0.000000e+00 : f32
    %max3A_57 = vector.broadcast %max3A_56 : f32 to vector<32x256xf32>
    %max3A_58 = arith.maximumf %div3A_55, %max3A_57 : vector<32x256xf32>
    %get3A_59 = arith.constant 0 : index
    %get3A_60 = arith.constant 0 : index
    %get3A_61 = vector.load %arg3[%get3A_59, %get3A_60] : memref<256x128xf32, #tpu.memory_space<vmem>>, vector<256x128xf32>
    %dot_general3A_62 = arith.constant dense<0.000000e+00> : vector<32x128xf32>
    %dot_general3A_63 = tpu.matmul %max3A_58, %get3A_61, %dot_general3A_62 {dimension_numbers = #tpu.dot_dimension_numbers<[1], [0], [0], [1], [0, 0, 1, 1], [], []>, transpose_lhs_hint = false} : vector<32x256xf32>, vector<256x128xf32>, vector<32x128xf32> -> vector<32x128xf32>
    %get3A_64 = arith.constant 0 : index
    %get3A_65 = arith.constant 0 : index
    %get3A_66 = vector.load %arg4[%get3A_64, %get3A_65] : memref<1x128xf32, #tpu.memory_space<vmem>>, vector<1x128xf32>
    %add3A_67 = vector.broadcast %get3A_66 : vector<1x128xf32> to vector<32x128xf32>
    %add3A_68 = arith.addf %dot_general3A_63, %add3A_67 : vector<32x128xf32>
    %swap3A = arith.constant 0 : index
    %swap3A_69 = arith.constant 0 : index
    %swap3A_70 = vector.load %arg5[%swap3A, %swap3A_69] : memref<32x128xf32, #tpu.memory_space<vmem>>, vector<32x128xf32>
    tpu.vector_store %arg5[%swap3A, %swap3A_69], %add3A_68 {strides = array<i32>} : memref<32x128xf32, #tpu.memory_space<vmem>>, vector<32x128xf32>,
    return
  }
}

</mosaic_0001>

<sc_bundles>
// kernel: sparse-core-data-format-call.cloned.1.call-start
scs
called_computation_lowered:
.L_overlay_start_0:
0x0: {  	s1 =	sld [smem:$0x3FD9]  }
0x1: {  	s2 =	sld [smem:$0x3FFE];
	_ =	sdelay $0x1  }
0x2: {  	s3 =	srdreg.scid  }
0x3: {  	s0 =	sand.u32 $0x1, s3  }
0x4: {  	s17 =	sshll.u32 s0, $0xA;
	s1 =	sadd.s32 s2, s1  }
0x5: {  	s1 =	sadd.s32 s1, s17  }
0x6: {  	[smem:$0x3FC0] =	sst s1  }
0x7: {  	_ = 	snop  }
0x8: {  	(tm) =	ssettm $0x1  }
0x9: {  	s18 =	sld [smem:$0x3FFB];
	_ =	sdelay $0x3  }
0xa: {  	_ =	strace s18  }
0xb: {  	s1 =	sld [smem:$0x3FFC];
	_ =	sdelay $0x3  }
0xc: {  	_ =	strace s1  }
0xd: {  	s1 =	sld [smem:$0x3FFD];
	_ =	sdelay $0x3  }
0xe: {  	_ =	strace s1  }
0xf: {  	_ =	strace $0x8FFFFFFF  }
0x10: {  	s19 =	sld [smem:$0x3FDB];
	_ =	sdelay $0x1  }
0x11: {  	s20 =	simm.s32 $_scs_section_size  }
0x12: {  	s4 =	simm.s32 $_size__tile_overlayer_lowered;
	s5 =	simm.s32 $_tile_overlayer_lowered  }
0x13: {  	s23 =	simm.s32 $0x1BFF;
	s22 =	sshll.u32 s5, $0x1;
	s1 =	sadd.s32 s20, s19  }
0x14: {  	s6 =	simm.s32 $0x0;
	s21 =	sshll.u32 s4, $0x1;
	s4 =	sadd.s32 s22, s1  }
0x15: {  	[timem:s6], [sflag:s23] =	dma.local [hbm:s4], s21  }
0x16: {  	_ =	swait.ge [sflag:s23], s21  }
0x17: {  	s2 =	ssub.s32 $0x0, s21;
	[sflag:s23] =	ssyncset.done $0x0  }
0x18: {  	[sflag:s23] =	ssyncadd.s32 s2;
	_ =	sdelay $0x1  }
0x19: {  	s24 =	simm.s32 $0x1B8B  }
0x1a: {  	_ =	swait.ge [sflag:s24], $0x1  }
0x1b: {  	[sflag:s24] =	ssyncset.done $0x0  }
0x1c: {  	s26 =	simm.s32 $0x1B8E;
	s25 =	sld [smem:$0x3FFE];
	[sflag:s24] =	ssyncadd.s32 $0xFFFFFFFF  }
0x1d: {  	s27 =	simm.s32 $execute0_lowered;
	[smem:$0x3FD2] =	sst s26  }
0x1e: {  	s4 =	sshll.u32 s27, $0x1;
	_ =	strace $0x80000046;
	[dreg:$0x1] =	wrdreg $0xFFFFFFFF  }
0x1f: {  	s28 =	simm.s32 $_size_execute0_lowered;
	s1 =	sadd.s32 s1, s4;
	[dreg:$0x0] =	wrdreg $0x0  }
0x20: {  	s4 =	sshll.u32 s28, $0x1;
	[dreg:$0x2] =	wrdreg s1  }
0x21: {  	[dreg:$0x3] =	wrdreg s4  }
0x22: {  	[dreg:$0x4] =	wrdreg $0xC0  }
0x23: {  	_ =	task [dreg:s6], $0x5FFFF  }
0x24: {  	[dreg:$0x1] =	wrdreg $0xFFFFFFFF  }
0x25: {  	[dreg:$0x0] =	wrdreg $0x60  }
0x26: {  	[dreg:$0x2] =	wrdreg s25  }
0x27: {  	[dreg:$0x3] =	wrdreg $0x9  }
0x28: {  	_ =	task.clear_ibuf [dreg:s6], $0x4FFFF;
	_ =	strace $0x90000046  }
0x29: {  	s29 =	simm.s32 $0x9;
	_ =	strace $0x80000048  }
0x2a: {  	_ =	swait.ge [sflag:s29], $0x1  }
0x2b: {  	[sflag:s29] =	ssyncadd.s32 $0xFFFFFFFF  }
0x2c: {  	_ =	strace $0x90000048  }
0x2d: {  	_ =	sfence  }
0x2e: {  	s30 =	sld [smem:$0x0];
	_ =	sdelay $0x2  }
0x2f: {  	s31 =	sshll.u32 s3, $0xD;
	s3 =	sshrl.u32 s3, $0x2  }
0x30: {  	s2 =	sand.u32 $0x4000, s31;
	s1 =	sadd.s32 s3, s30  }
0x31: {  	s0 =	sor.u32 s2, s0;
	s1 =	sshll.u32 s1, $0x11  }
0x32: {  	s0 =	sor.u32 s1, s0  }
0x33: {  	s0 =	sadd.s32 $0x8F2B, s0  }
0x34: {  	[sflag:s0] =	ssyncadd.remote.s32 $0x1  }
0x35: {  	_ =	sfence.sel $0xFFFF  }
0x36: {  	[dreg:$0x0] =	wrdreg $0xFFFFFFFF;
	(pc) =	sbr.abs _section_cstart, $3  }
0x37: {  	[dreg:$0x1] =	wrdreg $0xFFFFFFFF  }
0x38: {  	_ =	task.clear_ibuf [dreg:s6], $0x2FFFF;
	_ =	strace $0x9FFFFFFF  }
0x39: {  	(tm) =	ssettm $0x7FFFFFFF  }
tec
execute0_lowered:
.L_overlay_start_1:
0x0: {  	(tag) =	ssettag $0x1  }
0x1: {  	s1 =	rddreg [dreg:$0x0]  }
0x2: {  	s0 =	rddreg [dreg:$0x1];
	_ =	strace $0x80000047  }
0x3: {  	s4 =	srdreg.scid;
	s6 =	simm.s32 $0x2;
	s13 =	simm.s32 $0x0  }
0x4: {  	p0 =	por $0x0, $0x0;
	s11 =	simm.s32 $0x0;
	s12 =	simm.s32 $0x0  }
.Ltmp0:
0x5: {  	s8 =	simm.s32 $0x0;
	s9 =	simm.s32 $0x0;
	(pc) =	sbr.rel .LBB1_1-.Ltmp0, $4  }
0x6: {  	s2 =	sadd.s32 $0x80000, s1;
	s3 =	sadd.s32 $0x480000, s1;
	s4 =	sshll.u32 s4, $0x4  }
0x7: {  	s1 =	stileid.u32;
	s5 =	sand.u32 $0x10, s4;
	s4 =	simm.s32 $0x1  }
0x8: {  	s7 =	simm.s32 $0x0;
	s5 =	sor.u32 s1, s5;
	[sflag:s4] =	ssyncpa.u1 $0x0  }
0x9: {  	[sflag:s6] =	ssyncpa.u1 $0x0;
	s6 =	simm.s32 $0x2000;
	s10 =	smov.u32 s5  }
.LBB1_5:
0xa: {  	s14 =	sadd.s32 $0x80, s8  }
0xb: {  	s11 =	sadd.s32 $0x80, s9;
	s15 =	smov.u32 s9;
	p2 =	sgt.s32 s14, $0x3FF  }
0xc: {  	s15 =	smov.u32 @p2 s11  }
0xd: {  	s17 =	smov.u32 s10;
	s11 =	sadd.s32 $0x20, s10;
	p3 =	sgt.s32 s15, $0x3FF  }
0xe: {  	p1 =	slt.u32 s7, $0x2;
	s17 =	smov.u32 @p3 s11  }
0xf: {  	s7 =	sadd.s32 $0x1, s7;
	s14 =	simm.s32 @p2 $0x0;
	p2 =	sgt.s32 s17, $0x1F  }
0x10: {  	s17 =	smov.u32 @p2 s5;
	p2 =	sne.s32 s7, $0x42  }
.Ltmp1:
0x11: {  	s16 =	simm.s32 @!p1 $0x2;
	(pc) =	sbr.rel @!p2 .LBB1_6-.Ltmp1, $4  }
0x12: {  	s13 =	smov.u32 s8;
	_ =	swait.ge @!p1 [sflag:s16], $0x4000  }
0x13: {  	s12 =	smov.u32 s10;
	p0 =	por !p0, !p0;
	[sflag:s16] =	ssyncset.done @!p1 $0x0  }
0x14: {  	s8 =	smov.u32 s14;
	s15 =	simm.s32 @p3 $0x0;
	s11 =	smov.u32 s9  }
0x15: {  	[sflag:s16] =	ssyncadd.s32 @!p1 $0xFFFFC000;
	s9 =	smov.u32 s15;
	s10 =	smov.u32 s17  }
.LBB1_1:
0x16: {  	p1 =	sgt.u32 s7, $0x3F  }
0x17: {  	s14 =	sshll.u32 @!p1 s9, $0x7  }
0x18: {  	s15 =	sxor.u32 @!p1 $0xFFFFFFFF, s7;
	s16 =	sand.u32 @!p1 $0x78, s8;
	s17 =	sand.u32 @!p1 $0x380, s14  }
0x19: {  	s15 =	sshll.u32 @!p1 s15, $0xE;
	s16 =	sor.u32 @!p1 s16, s17;
	s17 =	sshll.u32 @!p1 s10, $0x11  }
0x1a: {  	s14 =	sand.u32 @!p1 $0x1FC00, s14;
	s16 =	sshrl.u32 @!p1 s16, $0x3;
	s17 =	sadd.s32 @!p1 s2, s17  }
0x1b: {  	s14 =	sadd.s32 @!p1 s8, s14;
	s16 =	sadd.s32 @!p1 s16, s17;
	s17 =	sand.u32 @!p1 $0x7, s8  }
0x1c: {  	s15 =	sand.u32 @!p1 $0x4000, s15;
	s14 =	sand.u32 @!p1 $0x1FF80, s14;
	s17 =	sshll.u32 @!p1 s17, $0x12  }
0x1d: {  	s14 =	sadd.s32 @!p1 s14, s16;
	s16 =	sor.u32 @!p1 $0x400, s17;
	s17 =	simm.s32 @!p1 $0x2000  }
0x1e: {  	[tilespmem:s15], [sflag:$0x1] =	stream.strided.gather @!p1 [hbm4b:s14+s16], $0x4000, s17, s16, $0x38;
	[tilespmem:$0x10100] =	vst v63  }
0x1f: {  	p1 =	seq.s32 s7, $0x0  }
0x20: {  	p2 =	seq.s32 @!p1 s7, $0x41  }
0x21: {  	p1 =	por p1, p2  }
.Ltmp2:
0x22: {  	_ = 	snop;
	(pc) =	sbr.rel @p1 .LBB1_5-.Ltmp2, $1  }
0x23: {  	_ =	sdelay $0x3  }
0x24: {  	s14 =	simm.s32 $0x1  }
0x25: {  	_ =	swait.ge [sflag:s4], $0x4000;
	s14 =	simm.s32 @!p0 $0x0  }
0x26: {  	[sflag:s4] =	ssyncset.done $0x0;
	s15 =	sshll.u32 s14, $0xE  }
0x27: {  	[sflag:s4] =	ssyncadd.s32 $0xFFFFC000;
	s17 =	sor.u32 $0x40, s15  }
0x28: {  	s14 =	smul.u32 $0x10200, s14;
	v0 =	vld [tilespmem:s17+$0x30]  }
0x29: {  	v3 =	vld [tilespmem:s17+$0xFFFFFFD0]  }
0x2a: {  	s14 =	sshrl.u32 s14, $0x2;
	v4 =	vld [tilespmem:s17+$0xFFFFFFE0]  }
0x2b: {  	v5 =	vld [tilespmem:s17+$0xFFFFFFF0];
	s15 =	sor.u32 $0x8000, s14  }
0x2c: {  	s31 =	sand.u32 $0x1, s7;
	v1 =	vld [tilespmem:s17+$0x0];
	s16 =	sadd.s32 $0x0, s15  }
0x2d: {  	v2 =	vld [tilespmem:s17+$0x10];
	s14 =	smul.u32 $0x10200, s31;
	[tilespmem:s16+$0x3870 ss:$0x81] =	vst.msk $0xffff, v0  }
0x2e: {  	[tilespmem:s16+$0x810 ss:$0x81] =	vst.msk $0xffff, v3;
	v3 =	vld [tilespmem:s17+$0x20]  }
0x2f: {  	s14 =	sshrl.u32 s14, $0x2;
	v0 =	vld [tilespmem:s17+$0xFFFFFFC0];
	[tilespmem:s16+$0x1020 ss:$0x81] =	vst.msk $0xffff, v4;
	s17 =	sadd.s32 $0x80, s17  }
0x30: {  	s18 =	simm.s32 $0x4;
	s19 =	simm.s32 $0x8;
	s14 =	sor.u32 $0x8000, s14;
	[tilespmem:s16+$0x1830 ss:$0x81] =	vst.msk $0xffff, v5;
	v4 =	vld [tilespmem:s17+$0x30]  }
.LBB1_3:
0x31: {  	p1 =	sne.s32 s19, $0x1FC;
	v5 =	vld [tilespmem:s17+$0xFFFFFFD0];
	[tilespmem:s16+$0x2040 ss:$0x81] =	vst.msk $0xffff, v1  }
0x32: {  	v6 =	vld [tilespmem:s17+$0xFFFFFFE0];
	[tilespmem:s16+$0x2850 ss:$0x81] =	vst.msk $0xffff, v2  }
0x33: {  	s20 =	sshra.s32 s18, $0x2;
	s18 =	smov.u32 s19;
	v7 =	vld [tilespmem:s17+$0xFFFFFFF0];
	[tilespmem:s16+$0x3060 ss:$0x81] =	vst.msk $0xffff, v3  }
.Ltmp3:
0x34: {  	v1 =	vld [tilespmem:s17+$0x0];
	[tilespmem:s16+$0x0 ss:$0x81] =	vst.msk $0xffff, v0;
	s16 =	sadd.s32 s20, s15;
	(pc) =	sbr.rel @p1 .LBB1_3-.Ltmp3, $4  }
0x35: {  	v2 =	vld [tilespmem:s17+$0x10];
	[tilespmem:s16+$0x3870 ss:$0x81] =	vst.msk $0xffff, v4  }
0x36: {  	[tilespmem:s16+$0x810 ss:$0x81] =	vst.msk $0xffff, v5;
	v3 =	vld [tilespmem:s17+$0x20]  }
0x37: {  	v0 =	vld [tilespmem:s17+$0xFFFFFFC0];
	[tilespmem:s16+$0x1020 ss:$0x81] =	vst.msk $0xffff, v6;
	s17 =	sadd.s32 $0x80, s17  }
0x38: {  	s19 =	sadd.s32 $0x4, s19;
	v4 =	vld [tilespmem:s17+$0x30];
	[tilespmem:s16+$0x1830 ss:$0x81] =	vst.msk $0xffff, v7  }
0x39: {  	v5 =	vld [tilespmem:s17+$0xFFFFFFD0];
	[tilespmem:s16+$0x2040 ss:$0x81] =	vst.msk $0xffff, v1  }
0x3a: {  	v58 =	vld [tilespmem:s17+$0xFFFFFFE0];
	[tilespmem:s16+$0x2850 ss:$0x81] =	vst.msk $0xffff, v2  }
0x3b: {  	s18 =	sshra.s32 s18, $0x2;
	v59 =	vld [tilespmem:s17+$0xFFFFFFF0];
	[tilespmem:s16+$0x3060 ss:$0x81] =	vst.msk $0xffff, v3  }
0x3c: {  	v60 =	vld [tilespmem:s17+$0x0];
	s15 =	sadd.s32 s18, s15;
	[tilespmem:s16+$0x0 ss:$0x81] =	vst.msk $0xffff, v0  }
0x3d: {  	v61 =	vld [tilespmem:s17+$0x10];
	[tilespmem:s15+$0x3870 ss:$0x81] =	vst.msk $0xffff, v4  }
0x3e: {  	v62 =	vld [tilespmem:s17+$0x20];
	s26 =	sshll.u32 s13, $0xA;
	s27 =	sshll.u32 s11, $0x3;
	s29 =	sshll.u32 s13, $0x7;
	[tilespmem:s15+$0x810 ss:$0x81] =	vst.msk $0xffff, v5  }
0x3f: {  	v63 =	vld [tilespmem:s17+$0xFFFFFFC0];
	s30 =	sand.u32 $0x78, s11;
	s12 =	sshll.u32 s12, $0x11;
	s31 =	sand.u32 $0x7, s11;
	[tilespmem:s15+$0x1020 ss:$0x81] =	vst.msk $0xffff, v58  }
0x40: {  	s28 =	sand.u32 $0xFFC00, s27;
	s13 =	sand.u32 $0x380, s29;
	s16 =	sand.u32 $0xFE000, s26;
	[tilespmem:s15+$0x1830 ss:$0x81] =	vst.msk $0xffff, v59  }
.Ltmp4:
0x41: {  	s13 =	sor.u32 s30, s13;
	s16 =	sadd.s32 s28, s16;
	[tilespmem:s15+$0x2040 ss:$0x81] =	vst.msk $0xffff, v60;
	(pc) =	sbr.rel .LBB1_5-.Ltmp4, $4  }
0x42: {  	s12 =	sadd.s32 s3, s12;
	s13 =	sshrl.u32 s13, $0x3;
	s16 =	sshrl.u32 s16, $0x3;
	[tilespmem:s15+$0x2850 ss:$0x81] =	vst.msk $0xffff, v61  }
0x43: {  	s11 =	sshll.u32 s31, $0x12;
	s12 =	sadd.s32 s13, s12;
	[tilespmem:s15+$0x3060 ss:$0x81] =	vst.msk $0xffff, v62;
	s16 =	sand.u32 $0x1FF80, s16  }
0x44: {  	s11 =	sor.u32 $0x400, s11;
	[tilespmem:s15+$0x0 ss:$0x81] =	vst.msk $0xffff, v63;
	s12 =	sadd.s32 s16, s12  }
0x45: {  	[hbm4b:s12+s11] =	stream.strided.scatter [tilespmem:s14], [sflag:$0x2], $0x4000, s6, s11, $0x20;
	[tilespmem:$0x10100] =	vst v63  }
.LBB1_6:
0x46: {  	_ =	sfence.sel $0x180000  }
0x47: {  	s2 =	simm.s32 $0x1;
	[bflag:$0x0] =	sbarrier.arrive $0xFFFF  }
0x48: {  	s31 =	simm.s32 $0x2;
	[sflag:s2] =	ssyncpa.u1 $0x1  }
0x49: {  	[sflag:s31] =	ssyncpa.u1 $0x1  }
0x4a: {  	p0 =	sne.s32 s1, $0x0;
	_ =	strace $0x90000047  }
0x4b: {  	s0 =	sadd.s32 @!p0 $0x100000, s0;
	[bflag:$0x2] =	sbarrier.arrive $0xFFFF  }
0x4c: {  	[sflag:s0] =	ssyncadd.tile.s32 @!p0 $0x1;
	_ =	shalt  }
.Lfunc_end1:
_tile_overlayer_lowered:
.L_overlay_start_2:
0x4d: {  	(tag) =	ssettag $0x2  }
0x4e: {  	s0 =	rddreg [dreg:$0x0];
	s2 =	stileid.u32  }
0x4f: {  	s1 =	rddreg [dreg:$0x1];
	p0 =	sne.s32 s2, $0x0  }
0x50: {  	s3 =	rddreg [dreg:$0x2];
	[bflag:$0x3] =	sbarrier.arrive $0xFFFF;
	s2 =	simm.s32 @!p0 $0x1C01  }
0x51: {  	[timem:s3], [sflag:s2] =	dma.local @!p0 [hbm:s0], s1  }
0x52: {  	s0 =	simm.s32 @!p0 $0x1  }
0x53: {  	_ =	swait.ge @!p0 [sflag:s0], s1  }
0x54: {  	s1 =	ssub.s32 @!p0 $0x0, s1;
	[sflag:s0] =	ssyncset.done @!p0 $0x0  }
0x55: {  	[sflag:s0] =	ssyncadd.s32 @!p0 s1  }
0x56: {  	[bflag:$0x3] =	sbarrier.arrive $0xFFFF  }
0x57: {  	_ =	shalt  }

</sc_bundles>
